<compile_context>
chip_gen: v7x
topology: tpu7x:2x2x1
jax: 0.10.2.dev20260603
libtpu: 0.0.44.dev20260713+nightly
codegen_flags: <defaults>
</compile_context>

<pallas_src>
import functools

import jax
import jax.numpy as jnp
from jax.experimental import pallas as pl
from jax.experimental.pallas import tpu as pltpu
from jax.experimental.pallas import tpu_sc as plsc

T = 2048
M = 2048
E = 8
H = 4096
C = 256
BH = 1024
NH = H // BH

NSLOT = 2560


def _slots_body(pos_hbm, gate_hbm, ssrc_hbm, sgate_hbm,
                pos_v, gate_v, tid_v, zbuf_i, zbuf_f,
                shared_i, shared_f):
    cid = jax.lax.axis_index("c")
    sid = jax.lax.axis_index("s")

    @pl.when(cid == 0)
    def _():
        base = sid * 128
        pltpu.sync_copy(pos_hbm.at[pl.ds(base, 128)], pos_v)
        pltpu.sync_copy(gate_hbm.at[pl.ds(base, 128)], gate_v)
        for k in range(8):
            tid_v[pl.ds(k * 16, 16)] = (
                jax.lax.iota(jnp.int32, 16) + (base + k * 16 + 1))
        for k in range(10):
            zbuf_i[pl.ds(k * 16, 16)] = jnp.zeros((16,), jnp.int32)
            zbuf_f[pl.ds(k * 16, 16)] = jnp.zeros((16,), jnp.float32)
        zb = sid * (NSLOT // 16)
        pltpu.sync_copy(zbuf_i, shared_i.at[pl.ds(zb, NSLOT // 16)])
        pltpu.sync_copy(zbuf_f, shared_f.at[pl.ds(zb, NSLOT // 16)])

    plsc.subcore_barrier()

    @pl.when(cid == 0)
    def _():
        pltpu.sync_copy(tid_v, shared_i.at[pos_v], add=True)
        pltpu.sync_copy(gate_v, shared_f.at[pos_v], add=True)

    plsc.subcore_barrier()

    @pl.when(cid == 0)
    def _():
        rb = sid * 128
        pltpu.sync_copy(shared_i.at[pl.ds(rb, 128)], ssrc_hbm.at[pl.ds(rb, 128)])
        pltpu.sync_copy(shared_f.at[pl.ds(rb, 128)], sgate_hbm.at[pl.ds(rb, 128)])


@jax.jit
def _slots(pos, gate):
    f = functools.partial(
        pl.kernel,
        out_type=(jax.ShapeDtypeStruct((E * C,), jnp.int32),
                  jax.ShapeDtypeStruct((E * C,), jnp.float32)),
        mesh=plsc.VectorSubcoreMesh(core_axis_name="c", subcore_axis_name="s"),
        scratch_types=[
            pltpu.VMEM((128,), jnp.int32),
            pltpu.VMEM((128,), jnp.float32),
            pltpu.VMEM((128,), jnp.int32),
            pltpu.VMEM((NSLOT // 16,), jnp.int32),
            pltpu.VMEM((NSLOT // 16,), jnp.float32),
            pltpu.VMEM_SHARED((NSLOT,), jnp.int32),
            pltpu.VMEM_SHARED((NSLOT,), jnp.float32),
        ],
    )(_slots_body)
    return f(pos, gate)


def _moe_body(x_ref, ssrc_ref, sgate_ref, fc1_ref, b1_ref, fc2_ref, b2_ref,
              out_ref, xe_raw, xs_ref, acc_ref, stage_ref, cnt_ref,
              sem_in, sem_out, sem_z):
    e = pl.program_id(0)
    nh = pl.program_id(1)

    def issue_gather(e1, b):
        def body(c, _):
            t1 = ssrc_ref[e1, c]
            t = jnp.maximum(t1 - 1, 0)
            pltpu.make_async_copy(
                x_ref.at[pl.ds(t, 1), :],
                xe_raw.at[b, pl.ds(c, 1), :],
                sem_in.at[b],
            ).start()
            return 0
        jax.lax.fori_loop(0, C, body, 0, unroll=False)

    @pl.when(nh == 0)
    def _():
        b = jax.lax.rem(e, 2)

        @pl.when(e == 0)
        def _():
            issue_gather(0, 0)
            stage_ref[0] = jnp.zeros_like(stage_ref[0])

            def zbody(k, _):
                pltpu.make_async_copy(
                    stage_ref.at[0], out_ref.at[pl.ds(k * C, C), :], sem_z,
                ).start()
                return 0
            jax.lax.fori_loop(0, T // C, zbody, 0, unroll=False)

        @pl.when(e + 1 < E)
        def _():
            issue_gather(e + 1, jax.lax.rem(e + 1, 2))

        pltpu.make_async_copy(
            x_ref.at[pl.ds(0, C), :], xe_raw.at[b], sem_in.at[b]
        ).wait()
        xs_ref[...] = (xe_raw[b] * sgate_ref[0]).astype(jnp.bfloat16)

    h = jnp.dot(xs_ref[...], fc1_ref[0].astype(jnp.bfloat16),
                preferred_element_type=jnp.float32)
    h = jnp.maximum(h + b1_ref[0], 0.0)
    contrib = jnp.dot(h.astype(jnp.bfloat16), fc2_ref[0].astype(jnp.bfloat16),
                      preferred_element_type=jnp.float32)

    @pl.when(nh == 0)
    def _():
        acc_ref[...] = contrib + b2_ref[0]

    @pl.when(nh != 0)
    def _():
        acc_ref[...] += contrib

    @pl.when(nh == NH - 1)
    def _():
        b = jax.lax.rem(e, 2)

        def drain(n, db):
            def wbody(i, _):
                pltpu.make_async_copy(
                    x_ref.at[pl.ds(0, 1), :],
                    stage_ref.at[0, pl.ds(0, 1), :],
                    sem_out.at[db],
                ).wait()
                return 0
            jax.lax.fori_loop(0, n, wbody, 0, unroll=False)

        @pl.when(e == 0)
        def _():
            def zwait(k, _):
                pltpu.make_async_copy(
                    stage_ref.at[0], out_ref.at[pl.ds(k * C, C), :], sem_z,
                ).wait()
                return 0
            jax.lax.fori_loop(0, T // C, zwait, 0, unroll=False)

        @pl.when(e >= 2)
        def _():
            drain(cnt_ref[b], b)

        stage_ref[b] = acc_ref[...] * sgate_ref[0]

        def sbody(c, cnt):
            t1 = ssrc_ref[e, c]

            def do_start():
                pltpu.make_async_copy(
                    stage_ref.at[b, pl.ds(c, 1), :],
                    out_ref.at[pl.ds(t1 - 1, 1), :],
                    sem_out.at[b],
                ).start()

            jax.lax.cond(t1 > 0, do_start, lambda: None)
            return cnt + jnp.where(t1 > 0, 1, 0)

        cnt_ref[b] = jax.lax.fori_loop(0, C, sbody, 0, unroll=False)

        @pl.when(e == E - 1)
        def _():
            drain(cnt_ref[jnp.int32(1) - b], jnp.int32(1) - b)
            drain(cnt_ref[b], b)


@jax.jit
def _moe(x, ssrc, sgate, fc1, b1, fc2, b2):
    return pl.pallas_call(
        _moe_body,
        grid=(E, NH),
        in_specs=[
            pl.BlockSpec(memory_space=pltpu.MemorySpace.HBM),
            pl.BlockSpec(memory_space=pltpu.SMEM),
            pl.BlockSpec((1, C, 1), lambda e, nh: (e, 0, 0)),
            pl.BlockSpec((1, M, BH), lambda e, nh: (e, 0, nh)),
            pl.BlockSpec((1, 1, BH), lambda e, nh: (e, 0, nh)),
            pl.BlockSpec((1, BH, M), lambda e, nh: (e, nh, 0)),
            pl.BlockSpec((1, 1, M), lambda e, nh: (e, 0, 0)),
        ],
        out_specs=pl.BlockSpec(memory_space=pltpu.MemorySpace.HBM),
        out_shape=jax.ShapeDtypeStruct((T, M), jnp.float32),
        scratch_shapes=[
            pltpu.VMEM((2, C, M), jnp.float32),
            pltpu.VMEM((C, M), jnp.bfloat16),
            pltpu.VMEM((C, M), jnp.float32),
            pltpu.VMEM((2, C, M), jnp.float32),
            pltpu.SMEM((2,), jnp.int32),
            pltpu.SemaphoreType.DMA((2,)),
            pltpu.SemaphoreType.DMA((2,)),
            pltpu.SemaphoreType.DMA,
        ],
        compiler_params=pltpu.CompilerParams(
            dimension_semantics=("arbitrary", "arbitrary"),
        ),
    )(x, ssrc, sgate, fc1, b1, fc2, b2)


def kernel(x, wg, fc1, b1, fc2, b2):
    T_, M_ = x.shape
    E_ = wg.shape[0]

    logits = x @ wg.T
    indices1_s = jnp.argmax(logits, axis=1)
    mask1 = jax.nn.one_hot(indices1_s, E_, dtype=logits.dtype)
    gates = jax.nn.softmax(logits, axis=1)
    gates1_s = jnp.sum(gates * mask1, axis=1)
    locations = jnp.cumsum(mask1, axis=0) - mask1
    locations1_s = jnp.sum(locations * mask1, axis=1).astype(jnp.int32)
    valid = locations1_s < C
    pos = indices1_s.astype(jnp.int32) * C + locations1_s
    pos_scatter = jnp.where(valid, pos, E_ * C)
    ssrc, sgate = _slots(pos_scatter, gates1_s)

    out = _moe(x, ssrc.reshape(E_, C), sgate.reshape(E_, C, 1),
               fc1, b1.reshape(E_, 1, H), fc2, b2.reshape(E_, 1, M))
    return out

# --- scband reference (transcript-rebuilt; emitter-appended) ---
"""Pipeline reference for scband-moelayer-76828374991704 (READ-ONLY COPY).

The authoritative reference and input builder live on the scoring server;
editing this copy changes nothing except your own understanding.
"""

import jax, jax.numpy as jnp
import numpy as np

T = 2048   # num tokens (hard-coded 2048 asserts in the original kernels)
M = 2048   # model_dim
E = 8      # num experts
H = 4096   # expert hidden size
CAP_F = 1.0


def setup_inputs(seed: int = 0) -> dict:
    key = jax.random.key(seed)
    ks = jax.random.split(key, 6)
    x = jax.random.normal(ks[0], (T, M), dtype=jnp.float32)
    wg = jax.random.normal(ks[1], (E, M), dtype=jnp.float32) * (1.0 / np.sqrt(M))
    fc1 = jax.random.normal(ks[2], (E, M, H), dtype=jnp.float32) * (1.0 / np.sqrt(M))
    b1 = jnp.zeros((E, H), dtype=jnp.float32)
    fc2 = jax.random.normal(ks[3], (E, H, M), dtype=jnp.float32) * (1.0 / np.sqrt(H))
    b2 = jnp.zeros((E, M), dtype=jnp.float32)
    return {"x": x, "wg": wg, "fc1": fc1, "b1": b1, "fc2": fc2, "b2": b2}


def reference(x, wg, fc1, b1, fc2, b2):
    T_, M_ = x.shape
    E_ = wg.shape[0]
    capacity = int(CAP_F * ((T_ + E_ - 1) // E_))  # 256; E*C == 2048 as asserted

    # --- Top1Gate ---
    logits = x @ wg.T                                   # [T, E]
    indices1_s = jnp.argmax(logits, axis=1)             # [T]
    mask1 = jax.nn.one_hot(indices1_s, E_, dtype=logits.dtype)
    gates = jax.nn.softmax(logits, axis=1)
    gates1_s = jnp.sum(gates * mask1, axis=1)           # [T]
    # gating kernel: per-expert running position of each token (exclusive cumsum)
    locations = jnp.cumsum(mask1, axis=0) - mask1
    locations1_s = jnp.sum(locations * mask1, axis=1).astype(jnp.int32)

    # --- encoder (func_fwd): scatter gates1_s * x into [E*C, M], dropping overflow ---
    valid = locations1_s < capacity
    pos = indices1_s.astype(jnp.int32) * capacity + locations1_s
    pos_scatter = jnp.where(valid, pos, E_ * capacity)  # out-of-range -> dropped
    dispatched = jnp.zeros((E_ * capacity, M_), dtype=x.dtype).at[pos_scatter].add(
        gates1_s[:, None] * x, mode='drop')

    # --- all-to-all is identity for world_size == 1 ---

    # --- fused FFN experts: relu(x @ fc1 + b1) @ fc2 + b2 per expert ---
    ei = dispatched.reshape(E_, capacity, M_)
    h = jax.nn.relu(jnp.einsum('ecm,emh->ech', ei, fc1) + b1[:, None, :])
    eo = jnp.einsum('ech,ehm->ecm', h, fc2) + b2[:, None, :]
    expert_output = eo.reshape(E_ * capacity, M_)

    # --- decoder (func_bwd_data): gather back, weight by gates1_s ---
    pos_safe = jnp.where(valid, pos, 0)
    gathered = jnp.where(valid[:, None], expert_output[pos_safe], 0.0)
    combined = gates1_s[:, None] * gathered             # [T, M]
    return combined

if __name__ == "__main__":
    import jax
    _d = setup_inputs()
    print(jax.jit(kernel)(*tuple(_d.values())))

</pallas_src>

<mosaic_0001>
#map = affine_map<(d0, d1) -> (0)>
module attributes {stable_mosaic.version = 14 : i64} {
  func.func @_slots_body(%arg0: i32, %arg1: i32, %arg2: memref<2048xi32, #tpu.memory_space<hbm>>, %arg3: memref<2048xf32, #tpu.memory_space<hbm>>, %arg4: memref<2048xi32, #tpu.memory_space<hbm>>, %arg5: memref<2048xf32, #tpu.memory_space<hbm>>, %arg6: memref<128xi32, #tpu.memory_space<vmem>>, %arg7: memref<128xf32, #tpu.memory_space<vmem>>, %arg8: memref<128xi32, #tpu.memory_space<vmem>>, %arg9: memref<160xi32, #tpu.memory_space<vmem>>, %arg10: memref<160xf32, #tpu.memory_space<vmem>>, %arg11: memref<2560xi32, #tpu.memory_space<vmem_shared>>, %arg12: memref<2560xf32, #tpu.memory_space<vmem_shared>>) attributes {dimension_semantics = [#tpu.dimension_semantics<core_parallel>, #tpu.dimension_semantics<subcore_parallel>], iteration_bounds = array<i64: 2, 16>, scalar_prefetch = 0 : i64, scratch_operands = 7 : i64, tpu.core_type = #tpu.core_type<sc_vector_subcore>, window_params = [{transform_indices = #map}, {transform_indices = #map}, {transform_indices = #map}, {transform_indices = #map}]} {
    %eq3A = arith.constant 0 : i32
    %eq3A_0 = arith.cmpi eq, %arg0, %eq3A : i32
    %convert_element_type3A = arith.extui %eq3A_0 : i1 to i32
    %cond3A = arith.constant 0 : i32
    %cond3A_1 = arith.cmpi ne, %convert_element_type3A, %cond3A : i32
    scf.if %cond3A_1 {
      %mul3A = arith.constant 128 : i32
      %mul3A_13 = arith.muli %arg1, %mul3A : i32
      "tpu.region"() ({
        %run_scoped3A = tpu.sem_alloc : memref<!tpu.dma_semaphore, #tpu.memory_space<semaphore_mem>>
        %dma_start3A = tpu.memref_slice %arg2[%mul3A_13] : memref<2048xi32, #tpu.memory_space<hbm>> -> memref<128xi32, #tpu.memory_space<hbm>>
        %dma_start3A_220 = tpu.memref_slice %arg2[%mul3A_13] : memref<2048xi32, #tpu.memory_space<hbm>> -> memref<128xi32, #tpu.memory_space<hbm>>
        tpu.enqueue_dma source(%dma_start3A_220 : memref<128xi32, #tpu.memory_space<hbm>>) target(%arg6 : memref<128xi32, #tpu.memory_space<vmem>>) target_semaphore(%run_scoped3A : memref<!tpu.dma_semaphore, #tpu.memory_space<semaphore_mem>>)
        %dma_wait3A = tpu.memref_slice %arg2[%mul3A_13] : memref<2048xi32, #tpu.memory_space<hbm>> -> memref<128xi32, #tpu.memory_space<hbm>>
        %dma_wait3A_221 = tpu.memref_slice %arg2[%mul3A_13] : memref<2048xi32, #tpu.memory_space<hbm>> -> memref<128xi32, #tpu.memory_space<hbm>>
        tpu.wait_dma2 semaphore(%run_scoped3A : memref<!tpu.dma_semaphore, #tpu.memory_space<semaphore_mem>>) src(%dma_wait3A_221 : memref<128xi32, #tpu.memory_space<hbm>>) dst(%arg6 : memref<128xi32, #tpu.memory_space<vmem>>)
        tpu.yield
      }) : () -> ()
      "tpu.region"() ({
        %run_scoped3A = tpu.sem_alloc : memref<!tpu.dma_semaphore, #tpu.memory_space<semaphore_mem>>
        %dma_start3A = tpu.memref_slice %arg3[%mul3A_13] : memref<2048xf32, #tpu.memory_space<hbm>> -> memref<128xf32, #tpu.memory_space<hbm>>
        %dma_start3A_220 = tpu.memref_slice %arg3[%mul3A_13] : memref<2048xf32, #tpu.memory_space<hbm>> -> memref<128xf32, #tpu.memory_space<hbm>>
        tpu.enqueue_dma source(%dma_start3A_220 : memref<128xf32, #tpu.memory_space<hbm>>) target(%arg7 : memref<128xf32, #tpu.memory_space<vmem>>) target_semaphore(%run_scoped3A : memref<!tpu.dma_semaphore, #tpu.memory_space<semaphore_mem>>)
        %dma_wait3A = tpu.memref_slice %arg3[%mul3A_13] : memref<2048xf32, #tpu.memory_space<hbm>> -> memref<128xf32, #tpu.memory_space<hbm>>
        %dma_wait3A_221 = tpu.memref_slice %arg3[%mul3A_13] : memref<2048xf32, #tpu.memory_space<hbm>> -> memref<128xf32, #tpu.memory_space<hbm>>
        tpu.wait_dma2 semaphore(%run_scoped3A : memref<!tpu.dma_semaphore, #tpu.memory_space<semaphore_mem>>) src(%dma_wait3A_221 : memref<128xf32, #tpu.memory_space<hbm>>) dst(%arg7 : memref<128xf32, #tpu.memory_space<vmem>>)
        tpu.yield
      }) : () -> ()
      %iota3A = tpu.iota {dimensions = array<i32: 0>} : vector<16xi32>
      %add3A = arith.constant 0 : i32
      %add3A_14 = arith.addi %mul3A_13, %add3A : i32
      %add3A_15 = arith.constant 1 : i32
      %add3A_16 = arith.addi %add3A_14, %add3A_15 : i32
      %add3A_17 = vector.broadcast %add3A_16 : i32 to vector<16xi32>
      %add3A_18 = arith.addi %iota3A, %add3A_17 : vector<16xi32>
      %swap3A = arith.constant 0 : index
      %swap3A_19 = tpu.vector_load %arg8[%swap3A] {strides = array<i32>} : memref<128xi32, #tpu.memory_space<vmem>>, vector<16xi32>,
      %swap3A_20 = vector.shape_cast %swap3A_19 : vector<16xi32> to vector<16xi32>
      %swap3A_21 = vector.shape_cast %add3A_18 : vector<16xi32> to vector<16xi32>
      tpu.vector_store %arg8[%swap3A], %swap3A_21 {strides = array<i32>} : memref<128xi32, #tpu.memory_space<vmem>>, vector<16xi32>,
      %iota3A_22 = tpu.iota {dimensions = array<i32: 0>} : vector<16xi32>
      %add3A_23 = arith.constant 16 : i32
      %add3A_24 = arith.addi %mul3A_13, %add3A_23 : i32
      %add3A_25 = arith.constant 1 : i32
      %add3A_26 = arith.addi %add3A_24, %add3A_25 : i32
      %add3A_27 = vector.broadcast %add3A_26 : i32 to vector<16xi32>
      %add3A_28 = arith.addi %iota3A_22, %add3A_27 : vector<16xi32>
      %swap3A_29 = arith.constant 16 : index
      %swap3A_30 = tpu.vector_load %arg8[%swap3A_29] {strides = array<i32>} : memref<128xi32, #tpu.memory_space<vmem>>, vector<16xi32>,
      %swap3A_31 = vector.shape_cast %swap3A_30 : vector<16xi32> to vector<16xi32>
      %swap3A_32 = vector.shape_cast %add3A_28 : vector<16xi32> to vector<16xi32>
      tpu.vector_store %arg8[%swap3A_29], %swap3A_32 {strides = array<i32>} : memref<128xi32, #tpu.memory_space<vmem>>, vector<16xi32>,
      %iota3A_33 = tpu.iota {dimensions = array<i32: 0>} : vector<16xi32>
      %add3A_34 = arith.constant 32 : i32
      %add3A_35 = arith.addi %mul3A_13, %add3A_34 : i32
      %add3A_36 = arith.constant 1 : i32
      %add3A_37 = arith.addi %add3A_35, %add3A_36 : i32
      %add3A_38 = vector.broadcast %add3A_37 : i32 to vector<16xi32>
      %add3A_39 = arith.addi %iota3A_33, %add3A_38 : vector<16xi32>
      %swap3A_40 = arith.constant 32 : index
      %swap3A_41 = tpu.vector_load %arg8[%swap3A_40] {strides = array<i32>} : memref<128xi32, #tpu.memory_space<vmem>>, vector<16xi32>,
      %swap3A_42 = vector.shape_cast %swap3A_41 : vector<16xi32> to vector<16xi32>
      %swap3A_43 = vector.shape_cast %add3A_39 : vector<16xi32> to vector<16xi32>
      tpu.vector_store %arg8[%swap3A_40], %swap3A_43 {strides = array<i32>} : memref<128xi32, #tpu.memory_space<vmem>>, vector<16xi32>,
      %iota3A_44 = tpu.iota {dimensions = array<i32: 0>} : vector<16xi32>
      %add3A_45 = arith.constant 48 : i32
      %add3A_46 = arith.addi %mul3A_13, %add3A_45 : i32
      %add3A_47 = arith.constant 1 : i32
      %add3A_48 = arith.addi %add3A_46, %add3A_47 : i32
      %add3A_49 = vector.broadcast %add3A_48 : i32 to vector<16xi32>
      %add3A_50 = arith.addi %iota3A_44, %add3A_49 : vector<16xi32>
      %swap3A_51 = arith.constant 48 : index
      %swap3A_52 = tpu.vector_load %arg8[%swap3A_51] {strides = array<i32>} : memref<128xi32, #tpu.memory_space<vmem>>, vector<16xi32>,
      %swap3A_53 = vector.shape_cast %swap3A_52 : vector<16xi32> to vector<16xi32>
      %swap3A_54 = vector.shape_cast %add3A_50 : vector<16xi32> to vector<16xi32>
      tpu.vector_store %arg8[%swap3A_51], %swap3A_54 {strides = array<i32>} : memref<128xi32, #tpu.memory_space<vmem>>, vector<16xi32>,
      %iota3A_55 = tpu.iota {dimensions = array<i32: 0>} : vector<16xi32>
      %add3A_56 = arith.constant 64 : i32
      %add3A_57 = arith.addi %mul3A_13, %add3A_56 : i32
      %add3A_58 = arith.constant 1 : i32
      %add3A_59 = arith.addi %add3A_57, %add3A_58 : i32
      %add3A_60 = vector.broadcast %add3A_59 : i32 to vector<16xi32>
      %add3A_61 = arith.addi %iota3A_55, %add3A_60 : vector<16xi32>
      %swap3A_62 = arith.constant 64 : index
      %swap3A_63 = tpu.vector_load %arg8[%swap3A_62] {strides = array<i32>} : memref<128xi32, #tpu.memory_space<vmem>>, vector<16xi32>,
      %swap3A_64 = vector.shape_cast %swap3A_63 : vector<16xi32> to vector<16xi32>
      %swap3A_65 = vector.shape_cast %add3A_61 : vector<16xi32> to vector<16xi32>
      tpu.vector_store %arg8[%swap3A_62], %swap3A_65 {strides = array<i32>} : memref<128xi32, #tpu.memory_space<vmem>>, vector<16xi32>,
      %iota3A_66 = tpu.iota {dimensions = array<i32: 0>} : vector<16xi32>
      %add3A_67 = arith.constant 80 : i32
      %add3A_68 = arith.addi %mul3A_13, %add3A_67 : i32
      %add3A_69 = arith.constant 1 : i32
      %add3A_70 = arith.addi %add3A_68, %add3A_69 : i32
      %add3A_71 = vector.broadcast %add3A_70 : i32 to vector<16xi32>
      %add3A_72 = arith.addi %iota3A_66, %add3A_71 : vector<16xi32>
      %swap3A_73 = arith.constant 80 : index
      %swap3A_74 = tpu.vector_load %arg8[%swap3A_73] {strides = array<i32>} : memref<128xi32, #tpu.memory_space<vmem>>, vector<16xi32>,
      %swap3A_75 = vector.shape_cast %swap3A_74 : vector<16xi32> to vector<16xi32>
      %swap3A_76 = vector.shape_cast %add3A_72 : vector<16xi32> to vector<16xi32>
      tpu.vector_store %arg8[%swap3A_73], %swap3A_76 {strides = array<i32>} : memref<128xi32, #tpu.memory_space<vmem>>, vector<16xi32>,
      %iota3A_77 = tpu.iota {dimensions = array<i32: 0>} : vector<16xi32>
      %add3A_78 = arith.constant 96 : i32
      %add3A_79 = arith.addi %mul3A_13, %add3A_78 : i32
      %add3A_80 = arith.constant 1 : i32
      %add3A_81 = arith.addi %add3A_79, %add3A_80 : i32
      %add3A_82 = vector.broadcast %add3A_81 : i32 to vector<16xi32>
      %add3A_83 = arith.addi %iota3A_77, %add3A_82 : vector<16xi32>
      %swap3A_84 = arith.constant 96 : index
      %swap3A_85 = tpu.vector_load %arg8[%swap3A_84] {strides = array<i32>} : memref<128xi32, #tpu.memory_space<vmem>>, vector<16xi32>,
      %swap3A_86 = vector.shape_cast %swap3A_85 : vector<16xi32> to vector<16xi32>
      %swap3A_87 = vector.shape_cast %add3A_83 : vector<16xi32> to vector<16xi32>
      tpu.vector_store %arg8[%swap3A_84], %swap3A_87 {strides = array<i32>} : memref<128xi32, #tpu.memory_space<vmem>>, vector<16xi32>,
      %iota3A_88 = tpu.iota {dimensions = array<i32: 0>} : vector<16xi32>
      %add3A_89 = arith.constant 112 : i32
      %add3A_90 = arith.addi %mul3A_13, %add3A_89 : i32
      %add3A_91 = arith.constant 1 : i32
      %add3A_92 = arith.addi %add3A_90, %add3A_91 : i32
      %add3A_93 = vector.broadcast %add3A_92 : i32 to vector<16xi32>
      %add3A_94 = arith.addi %iota3A_88, %add3A_93 : vector<16xi32>
      %swap3A_95 = arith.constant 112 : index
      %swap3A_96 = tpu.vector_load %arg8[%swap3A_95] {strides = array<i32>} : memref<128xi32, #tpu.memory_space<vmem>>, vector<16xi32>,
      %swap3A_97 = vector.shape_cast %swap3A_96 : vector<16xi32> to vector<16xi32>
      %swap3A_98 = vector.shape_cast %add3A_94 : vector<16xi32> to vector<16xi32>
      tpu.vector_store %arg8[%swap3A_95], %swap3A_98 {strides = array<i32>} : memref<128xi32, #tpu.memory_space<vmem>>, vector<16xi32>,
      %broadcast_in_dim3A = arith.constant 0 : i32
      %broadcast_in_dim3A_99 = vector.broadcast %broadcast_in_dim3A : i32 to vector<16xi32>
      %swap3A_100 = arith.constant 0 : index
      %swap3A_101 = tpu.vector_load %arg9[%swap3A_100] {strides = array<i32>} : memref<160xi32, #tpu.memory_space<vmem>>, vector<16xi32>,
      %swap3A_102 = vector.shape_cast %swap3A_101 : vector<16xi32> to vector<16xi32>
      %swap3A_103 = vector.shape_cast %broadcast_in_dim3A_99 : vector<16xi32> to vector<16xi32>
      tpu.vector_store %arg9[%swap3A_100], %swap3A_103 {strides = array<i32>} : memref<160xi32, #tpu.memory_space<vmem>>, vector<16xi32>,
      %broadcast_in_dim3A_104 = arith.constant 0.000000e+00 : f32
      %broadcast_in_dim3A_105 = vector.broadcast %broadcast_in_dim3A_104 : f32 to vector<16xf32>
      %swap3A_106 = arith.constant 0 : index
      %swap3A_107 = tpu.vector_load %arg10[%swap3A_106] {strides = array<i32>} : memref<160xf32, #tpu.memory_space<vmem>>, vector<16xf32>,
      %swap3A_108 = vector.shape_cast %swap3A_107 : vector<16xf32> to vector<16xf32>
      %swap3A_109 = vector.shape_cast %broadcast_in_dim3A_105 : vector<16xf32> to vector<16xf32>
      tpu.vector_store %arg10[%swap3A_106], %swap3A_109 {strides = array<i32>} : memref<160xf32, #tpu.memory_space<vmem>>, vector<16xf32>,
      %broadcast_in_dim3A_110 = arith.constant 0 : i32
      %broadcast_in_dim3A_111 = vector.broadcast %broadcast_in_dim3A_110 : i32 to vector<16xi32>
      %swap3A_112 = arith.constant 16 : index
      %swap3A_113 = tpu.vector_load %arg9[%swap3A_112] {strides = array<i32>} : memref<160xi32, #tpu.memory_space<vmem>>, vector<16xi32>,
      %swap3A_114 = vector.shape_cast %swap3A_113 : vector<16xi32> to vector<16xi32>
      %swap3A_115 = vector.shape_cast %broadcast_in_dim3A_111 : vector<16xi32> to vector<16xi32>
      tpu.vector_store %arg9[%swap3A_112], %swap3A_115 {strides = array<i32>} : memref<160xi32, #tpu.memory_space<vmem>>, vector<16xi32>,
      %broadcast_in_dim3A_116 = arith.constant 0.000000e+00 : f32
      %broadcast_in_dim3A_117 = vector.broadcast %broadcast_in_dim3A_116 : f32 to vector<16xf32>
      %swap3A_118 = arith.constant 16 : index
      %swap3A_119 = tpu.vector_load %arg10[%swap3A_118] {strides = array<i32>} : memref<160xf32, #tpu.memory_space<vmem>>, vector<16xf32>,
      %swap3A_120 = vector.shape_cast %swap3A_119 : vector<16xf32> to vector<16xf32>
      %swap3A_121 = vector.shape_cast %broadcast_in_dim3A_117 : vector<16xf32> to vector<16xf32>
      tpu.vector_store %arg10[%swap3A_118], %swap3A_121 {strides = array<i32>} : memref<160xf32, #tpu.memory_space<vmem>>, vector<16xf32>,
      %broadcast_in_dim3A_122 = arith.constant 0 : i32
      %broadcast_in_dim3A_123 = vector.broadcast %broadcast_in_dim3A_122 : i32 to vector<16xi32>
      %swap3A_124 = arith.constant 32 : index
      %swap3A_125 = tpu.vector_load %arg9[%swap3A_124] {strides = array<i32>} : memref<160xi32, #tpu.memory_space<vmem>>, vector<16xi32>,
      %swap3A_126 = vector.shape_cast %swap3A_125 : vector<16xi32> to vector<16xi32>
      %swap3A_127 = vector.shape_cast %broadcast_in_dim3A_123 : vector<16xi32> to vector<16xi32>
      tpu.vector_store %arg9[%swap3A_124], %swap3A_127 {strides = array<i32>} : memref<160xi32, #tpu.memory_space<vmem>>, vector<16xi32>,
      %broadcast_in_dim3A_128 = arith.constant 0.000000e+00 : f32
      %broadcast_in_dim3A_129 = vector.broadcast %broadcast_in_dim3A_128 : f32 to vector<16xf32>
      %swap3A_130 = arith.constant 32 : index
      %swap3A_131 = tpu.vector_load %arg10[%swap3A_130] {strides = array<i32>} : memref<160xf32, #tpu.memory_space<vmem>>, vector<16xf32>,
      %swap3A_132 = vector.shape_cast %swap3A_131 : vector<16xf32> to vector<16xf32>
      %swap3A_133 = vector.shape_cast %broadcast_in_dim3A_129 : vector<16xf32> to vector<16xf32>
      tpu.vector_store %arg10[%swap3A_130], %swap3A_133 {strides = array<i32>} : memref<160xf32, #tpu.memory_space<vmem>>, vector<16xf32>,
      %broadcast_in_dim3A_134 = arith.constant 0 : i32
      %broadcast_in_dim3A_135 = vector.broadcast %broadcast_in_dim3A_134 : i32 to vector<16xi32>
      %swap3A_136 = arith.constant 48 : index
      %swap3A_137 = tpu.vector_load %arg9[%swap3A_136] {strides = array<i32>} : memref<160xi32, #tpu.memory_space<vmem>>, vector<16xi32>,
      %swap3A_138 = vector.shape_cast %swap3A_137 : vector<16xi32> to vector<16xi32>
      %swap3A_139 = vector.shape_cast %broadcast_in_dim3A_135 : vector<16xi32> to vector<16xi32>
      tpu.vector_store %arg9[%swap3A_136], %swap3A_139 {strides = array<i32>} : memref<160xi32, #tpu.memory_space<vmem>>, vector<16xi32>,
      %broadcast_in_dim3A_140 = arith.constant 0.000000e+00 : f32
      %broadcast_in_dim3A_141 = vector.broadcast %broadcast_in_dim3A_140 : f32 to vector<16xf32>
      %swap3A_142 = arith.constant 48 : index
      %swap3A_143 = tpu.vector_load %arg10[%swap3A_142] {strides = array<i32>} : memref<160xf32, #tpu.memory_space<vmem>>, vector<16xf32>,
      %swap3A_144 = vector.shape_cast %swap3A_143 : vector<16xf32> to vector<16xf32>
      %swap3A_145 = vector.shape_cast %broadcast_in_dim3A_141 : vector<16xf32> to vector<16xf32>
      tpu.vector_store %arg10[%swap3A_142], %swap3A_145 {strides = array<i32>} : memref<160xf32, #tpu.memory_space<vmem>>, vector<16xf32>,
      %broadcast_in_dim3A_146 = arith.constant 0 : i32
      %broadcast_in_dim3A_147 = vector.broadcast %broadcast_in_dim3A_146 : i32 to vector<16xi32>
      %swap3A_148 = arith.constant 64 : index
      %swap3A_149 = tpu.vector_load %arg9[%swap3A_148] {strides = array<i32>} : memref<160xi32, #tpu.memory_space<vmem>>, vector<16xi32>,
      %swap3A_150 = vector.shape_cast %swap3A_149 : vector<16xi32> to vector<16xi32>
      %swap3A_151 = vector.shape_cast %broadcast_in_dim3A_147 : vector<16xi32> to vector<16xi32>
      tpu.vector_store %arg9[%swap3A_148], %swap3A_151 {strides = array<i32>} : memref<160xi32, #tpu.memory_space<vmem>>, vector<16xi32>,
      %broadcast_in_dim3A_152 = arith.constant 0.000000e+00 : f32
      %broadcast_in_dim3A_153 = vector.broadcast %broadcast_in_dim3A_152 : f32 to vector<16xf32>
      %swap3A_154 = arith.constant 64 : index
      %swap3A_155 = tpu.vector_load %arg10[%swap3A_154] {strides = array<i32>} : memref<160xf32, #tpu.memory_space<vmem>>, vector<16xf32>,
      %swap3A_156 = vector.shape_cast %swap3A_155 : vector<16xf32> to vector<16xf32>
      %swap3A_157 = vector.shape_cast %broadcast_in_dim3A_153 : vector<16xf32> to vector<16xf32>
      tpu.vector_store %arg10[%swap3A_154], %swap3A_157 {strides = array<i32>} : memref<160xf32, #tpu.memory_space<vmem>>, vector<16xf32>,
      %broadcast_in_dim3A_158 = arith.constant 0 : i32
      %broadcast_in_dim3A_159 = vector.broadcast %broadcast_in_dim3A_158 : i32 to vector<16xi32>
      %swap3A_160 = arith.constant 80 : index
      %swap3A_161 = tpu.vector_load %arg9[%swap3A_160] {strides = array<i32>} : memref<160xi32, #tpu.memory_space<vmem>>, vector<16xi32>,
      %swap3A_162 = vector.shape_cast %swap3A_161 : vector<16xi32> to vector<16xi32>
      %swap3A_163 = vector.shape_cast %broadcast_in_dim3A_159 : vector<16xi32> to vector<16xi32>
      tpu.vector_store %arg9[%swap3A_160], %swap3A_163 {strides = array<i32>} : memref<160xi32, #tpu.memory_space<vmem>>, vector<16xi32>,
      %broadcast_in_dim3A_164 = arith.constant 0.000000e+00 : f32
      %broadcast_in_dim3A_165 = vector.broadcast %broadcast_in_dim3A_164 : f32 to vector<16xf32>
      %swap3A_166 = arith.constant 80 : index
      %swap3A_167 = tpu.vector_load %arg10[%swap3A_166] {strides = array<i32>} : memref<160xf32, #tpu.memory_space<vmem>>, vector<16xf32>,
      %swap3A_168 = vector.shape_cast %swap3A_167 : vector<16xf32> to vector<16xf32>
      %swap3A_169 = vector.shape_cast %broadcast_in_dim3A_165 : vector<16xf32> to vector<16xf32>
      tpu.vector_store %arg10[%swap3A_166], %swap3A_169 {strides = array<i32>} : memref<160xf32, #tpu.memory_space<vmem>>, vector<16xf32>,
      %broadcast_in_dim3A_170 = arith.constant 0 : i32
      %broadcast_in_dim3A_171 = vector.broadcast %broadcast_in_dim3A_170 : i32 to vector<16xi32>
      %swap3A_172 = arith.constant 96 : index
      %swap3A_173 = tpu.vector_load %arg9[%swap3A_172] {strides = array<i32>} : memref<160xi32, #tpu.memory_space<vmem>>, vector<16xi32>,
      %swap3A_174 = vector.shape_cast %swap3A_173 : vector<16xi32> to vector<16xi32>
      %swap3A_175 = vector.shape_cast %broadcast_in_dim3A_171 : vector<16xi32> to vector<16xi32>
      tpu.vector_store %arg9[%swap3A_172], %swap3A_175 {strides = array<i32>} : memref<160xi32, #tpu.memory_space<vmem>>, vector<16xi32>,
      %broadcast_in_dim3A_176 = arith.constant 0.000000e+00 : f32
      %broadcast_in_dim3A_177 = vector.broadcast %broadcast_in_dim3A_176 : f32 to vector<16xf32>
      %swap3A_178 = arith.constant 96 : index
      %swap3A_179 = tpu.vector_load %arg10[%swap3A_178] {strides = array<i32>} : memref<160xf32, #tpu.memory_space<vmem>>, vector<16xf32>,
      %swap3A_180 = vector.shape_cast %swap3A_179 : vector<16xf32> to vector<16xf32>
      %swap3A_181 = vector.shape_cast %broadcast_in_dim3A_177 : vector<16xf32> to vector<16xf32>
      tpu.vector_store %arg10[%swap3A_178], %swap3A_181 {strides = array<i32>} : memref<160xf32, #tpu.memory_space<vmem>>, vector<16xf32>,
      %broadcast_in_dim3A_182 = arith.constant 0 : i32
      %broadcast_in_dim3A_183 = vector.broadcast %broadcast_in_dim3A_182 : i32 to vector<16xi32>
      %swap3A_184 = arith.constant 112 : index
      %swap3A_185 = tpu.vector_load %arg9[%swap3A_184] {strides = array<i32>} : memref<160xi32, #tpu.memory_space<vmem>>, vector<16xi32>,
      %swap3A_186 = vector.shape_cast %swap3A_185 : vector<16xi32> to vector<16xi32>
      %swap3A_187 = vector.shape_cast %broadcast_in_dim3A_183 : vector<16xi32> to vector<16xi32>
      tpu.vector_store %arg9[%swap3A_184], %swap3A_187 {strides = array<i32>} : memref<160xi32, #tpu.memory_space<vmem>>, vector<16xi32>,
      %broadcast_in_dim3A_188 = arith.constant 0.000000e+00 : f32
      %broadcast_in_dim3A_189 = vector.broadcast %broadcast_in_dim3A_188 : f32 to vector<16xf32>
      %swap3A_190 = arith.constant 112 : index
      %swap3A_191 = tpu.vector_load %arg10[%swap3A_190] {strides = array<i32>} : memref<160xf32, #tpu.memory_space<vmem>>, vector<16xf32>,
      %swap3A_192 = vector.shape_cast %swap3A_191 : vector<16xf32> to vector<16xf32>
      %swap3A_193 = vector.shape_cast %broadcast_in_dim3A_189 : vector<16xf32> to vector<16xf32>
      tpu.vector_store %arg10[%swap3A_190], %swap3A_193 {strides = array<i32>} : memref<160xf32, #tpu.memory_space<vmem>>, vector<16xf32>,
      %broadcast_in_dim3A_194 = arith.constant 0 : i32
      %broadcast_in_dim3A_195 = vector.broadcast %broadcast_in_dim3A_194 : i32 to vector<16xi32>
      %swap3A_196 = arith.constant 128 : index
      %swap3A_197 = tpu.vector_load %arg9[%swap3A_196] {strides = array<i32>} : memref<160xi32, #tpu.memory_space<vmem>>, vector<16xi32>,
      %swap3A_198 = vector.shape_cast %swap3A_197 : vector<16xi32> to vector<16xi32>
      %swap3A_199 = vector.shape_cast %broadcast_in_dim3A_195 : vector<16xi32> to vector<16xi32>
      tpu.vector_store %arg9[%swap3A_196], %swap3A_199 {strides = array<i32>} : memref<160xi32, #tpu.memory_space<vmem>>, vector<16xi32>,
      %broadcast_in_dim3A_200 = arith.constant 0.000000e+00 : f32
      %broadcast_in_dim3A_201 = vector.broadcast %broadcast_in_dim3A_200 : f32 to vector<16xf32>
      %swap3A_202 = arith.constant 128 : index
      %swap3A_203 = tpu.vector_load %arg10[%swap3A_202] {strides = array<i32>} : memref<160xf32, #tpu.memory_space<vmem>>, vector<16xf32>,
      %swap3A_204 = vector.shape_cast %swap3A_203 : vector<16xf32> to vector<16xf32>
      %swap3A_205 = vector.shape_cast %broadcast_in_dim3A_201 : vector<16xf32> to vector<16xf32>
      tpu.vector_store %arg10[%swap3A_202], %swap3A_205 {strides = array<i32>} : memref<160xf32, #tpu.memory_space<vmem>>, vector<16xf32>,
      %broadcast_in_dim3A_206 = arith.constant 0 : i32
      %broadcast_in_dim3A_207 = vector.broadcast %broadcast_in_dim3A_206 : i32 to vector<16xi32>
      %swap3A_208 = arith.constant 144 : index
      %swap3A_209 = tpu.vector_load %arg9[%swap3A_208] {strides = array<i32>} : memref<160xi32, #tpu.memory_space<vmem>>, vector<16xi32>,
      %swap3A_210 = vector.shape_cast %swap3A_209 : vector<16xi32> to vector<16xi32>
      %swap3A_211 = vector.shape_cast %broadcast_in_dim3A_207 : vector<16xi32> to vector<16xi32>
      tpu.vector_store %arg9[%swap3A_208], %swap3A_211 {strides = array<i32>} : memref<160xi32, #tpu.memory_space<vmem>>, vector<16xi32>,
      %broadcast_in_dim3A_212 = arith.constant 0.000000e+00 : f32
      %broadcast_in_dim3A_213 = vector.broadcast %broadcast_in_dim3A_212 : f32 to vector<16xf32>
      %swap3A_214 = arith.constant 144 : index
      %swap3A_215 = tpu.vector_load %arg10[%swap3A_214] {strides = array<i32>} : memref<160xf32, #tpu.memory_space<vmem>>, vector<16xf32>,
      %swap3A_216 = vector.shape_cast %swap3A_215 : vector<16xf32> to vector<16xf32>
      %swap3A_217 = vector.shape_cast %broadcast_in_dim3A_213 : vector<16xf32> to vector<16xf32>
      tpu.vector_store %arg10[%swap3A_214], %swap3A_217 {strides = array<i32>} : memref<160xf32, #tpu.memory_space<vmem>>, vector<16xf32>,
      %mul3A_218 = arith.constant 160 : i32
      %mul3A_219 = arith.muli %arg1, %mul3A_218 : i32
      "tpu.region"() ({
        %run_scoped3A = tpu.sem_alloc : memref<!tpu.dma_semaphore, #tpu.memory_space<semaphore_mem>>
        %dma_start3A = tpu.memref_slice %arg11[%mul3A_219] : memref<2560xi32, #tpu.memory_space<vmem_shared>> -> memref<160xi32, #tpu.memory_space<vmem_shared>>
        %dma_start3A_220 = tpu.memref_slice %arg11[%mul3A_219] : memref<2560xi32, #tpu.memory_space<vmem_shared>> -> memref<160xi32, #tpu.memory_space<vmem_shared>>
        tpu.enqueue_dma source(%arg9 : memref<160xi32, #tpu.memory_space<vmem>>) target(%dma_start3A_220 : memref<160xi32, #tpu.memory_space<vmem_shared>>) target_semaphore(%run_scoped3A : memref<!tpu.dma_semaphore, #tpu.memory_space<semaphore_mem>>)
        %dma_wait3A = tpu.memref_slice %arg11[%mul3A_219] : memref<2560xi32, #tpu.memory_space<vmem_shared>> -> memref<160xi32, #tpu.memory_space<vmem_shared>>
        %dma_wait3A_221 = tpu.memref_slice %arg11[%mul3A_219] : memref<2560xi32, #tpu.memory_space<vmem_shared>> -> memref<160xi32, #tpu.memory_space<vmem_shared>>
        tpu.wait_dma2 semaphore(%run_scoped3A : memref<!tpu.dma_semaphore, #tpu.memory_space<semaphore_mem>>) src(%arg9 : memref<160xi32, #tpu.memory_space<vmem>>) dst(%dma_wait3A_221 : memref<160xi32, #tpu.memory_space<vmem_shared>>)
        tpu.yield
      }) : () -> ()
      "tpu.region"() ({
        %run_scoped3A = tpu.sem_alloc : memref<!tpu.dma_semaphore, #tpu.memory_space<semaphore_mem>>
        %dma_start3A = tpu.memref_slice %arg12[%mul3A_219] : memref<2560xf32, #tpu.memory_space<vmem_shared>> -> memref<160xf32, #tpu.memory_space<vmem_shared>>
        %dma_start3A_220 = tpu.memref_slice %arg12[%mul3A_219] : memref<2560xf32, #tpu.memory_space<vmem_shared>> -> memref<160xf32, #tpu.memory_space<vmem_shared>>
        tpu.enqueue_dma source(%arg10 : memref<160xf32, #tpu.memory_space<vmem>>) target(%dma_start3A_220 : memref<160xf32, #tpu.memory_space<vmem_shared>>) target_semaphore(%run_scoped3A : memref<!tpu.dma_semaphore, #tpu.memory_space<semaphore_mem>>)
        %dma_wait3A = tpu.memref_slice %arg12[%mul3A_219] : memref<2560xf32, #tpu.memory_space<vmem_shared>> -> memref<160xf32, #tpu.memory_space<vmem_shared>>
        %dma_wait3A_221 = tpu.memref_slice %arg12[%mul3A_219] : memref<2560xf32, #tpu.memory_space<vmem_shared>> -> memref<160xf32, #tpu.memory_space<vmem_shared>>
        tpu.wait_dma2 semaphore(%run_scoped3A : memref<!tpu.dma_semaphore, #tpu.memory_space<semaphore_mem>>) src(%arg10 : memref<160xf32, #tpu.memory_space<vmem>>) dst(%dma_wait3A_221 : memref<160xf32, #tpu.memory_space<vmem_shared>>)
        tpu.yield
      }) : () -> ()
    } else {
    }
    %barrier3A = arith.constant 0 : index
    tpu.barrier barrier_id(%barrier3A)
    %eq3A_2 = arith.constant 0 : i32
    %eq3A_3 = arith.cmpi eq, %arg0, %eq3A_2 : i32
    %convert_element_type3A_4 = arith.extui %eq3A_3 : i1 to i32
    %cond3A_5 = arith.constant 0 : i32
    %cond3A_6 = arith.cmpi ne, %convert_element_type3A_4, %cond3A_5 : i32
    scf.if %cond3A_6 {
      "tpu.region"() ({
        %run_scoped3A = tpu.sem_alloc : memref<!tpu.dma_semaphore, #tpu.memory_space<semaphore_mem>>
        %dma_start3A = arith.constant 0 : i32
        %dma_start3A_13 = tpu.memref_slice %arg11[%dma_start3A] : memref<2560xi32, #tpu.memory_space<vmem_shared>> -> memref<2560xi32, #tpu.memory_space<vmem_shared>>
        tpu.enqueue_indirect_dma source(%arg8 : memref<128xi32, #tpu.memory_space<vmem>>) target(%dma_start3A_13 : memref<2560xi32, #tpu.memory_space<vmem_shared>>) offsets(%arg6 : memref<128xi32, #tpu.memory_space<vmem>>) semaphore(%run_scoped3A : memref<!tpu.dma_semaphore, #tpu.memory_space<semaphore_mem>>) {add = true}
        %dma_wait3A = arith.constant 0 : i32
        %dma_wait3A_14 = tpu.memref_slice %arg11[%dma_wait3A] : memref<2560xi32, #tpu.memory_space<vmem_shared>> -> memref<2560xi32, #tpu.memory_space<vmem_shared>>
        tpu.wait_indirect_dma semaphore(%run_scoped3A : memref<!tpu.dma_semaphore, #tpu.memory_space<semaphore_mem>>) src(%arg8 : memref<128xi32, #tpu.memory_space<vmem>>) dst(%dma_wait3A_14 : memref<2560xi32, #tpu.memory_space<vmem_shared>>)
        tpu.yield
      }) : () -> ()
      "tpu.region"() ({
        %run_scoped3A = tpu.sem_alloc : memref<!tpu.dma_semaphore, #tpu.memory_space<semaphore_mem>>
        %dma_start3A = arith.constant 0 : i32
        %dma_start3A_13 = tpu.memref_slice %arg12[%dma_start3A] : memref<2560xf32, #tpu.memory_space<vmem_shared>> -> memref<2560xf32, #tpu.memory_space<vmem_shared>>
        tpu.enqueue_indirect_dma source(%arg7 : memref<128xf32, #tpu.memory_space<vmem>>) target(%dma_start3A_13 : memref<2560xf32, #tpu.memory_space<vmem_shared>>) offsets(%arg6 : memref<128xi32, #tpu.memory_space<vmem>>) semaphore(%run_scoped3A : memref<!tpu.dma_semaphore, #tpu.memory_space<semaphore_mem>>) {add = true}
        %dma_wait3A = arith.constant 0 : i32
        %dma_wait3A_14 = tpu.memref_slice %arg12[%dma_wait3A] : memref<2560xf32, #tpu.memory_space<vmem_shared>> -> memref<2560xf32, #tpu.memory_space<vmem_shared>>
        tpu.wait_indirect_dma semaphore(%run_scoped3A : memref<!tpu.dma_semaphore, #tpu.memory_space<semaphore_mem>>) src(%arg7 : memref<128xf32, #tpu.memory_space<vmem>>) dst(%dma_wait3A_14 : memref<2560xf32, #tpu.memory_space<vmem_shared>>)
        tpu.yield
      }) : () -> ()
    } else {
    }
    %barrier3A_7 = arith.constant 0 : index
    tpu.barrier barrier_id(%barrier3A_7)
    %eq3A_8 = arith.constant 0 : i32
    %eq3A_9 = arith.cmpi eq, %arg0, %eq3A_8 : i32
    %convert_element_type3A_10 = arith.extui %eq3A_9 : i1 to i32
    %cond3A_11 = arith.constant 0 : i32
    %cond3A_12 = arith.cmpi ne, %convert_element_type3A_10, %cond3A_11 : i32
    scf.if %cond3A_12 {
      %mul3A = arith.constant 128 : i32
      %mul3A_13 = arith.muli %arg1, %mul3A : i32
      "tpu.region"() ({
        %run_scoped3A = tpu.sem_alloc : memref<!tpu.dma_semaphore, #tpu.memory_space<semaphore_mem>>
        %dma_start3A = tpu.memref_slice %arg4[%mul3A_13] : memref<2048xi32, #tpu.memory_space<hbm>> -> memref<128xi32, #tpu.memory_space<hbm>>
        %dma_start3A_14 = tpu.memref_slice %arg11[%mul3A_13] : memref<2560xi32, #tpu.memory_space<vmem_shared>> -> memref<128xi32, #tpu.memory_space<vmem_shared>>
        tpu.enqueue_dma source(%dma_start3A_14 : memref<128xi32, #tpu.memory_space<vmem_shared>>) target(%dma_start3A : memref<128xi32, #tpu.memory_space<hbm>>) target_semaphore(%run_scoped3A : memref<!tpu.dma_semaphore, #tpu.memory_space<semaphore_mem>>)
        %dma_wait3A = tpu.memref_slice %arg4[%mul3A_13] : memref<2048xi32, #tpu.memory_space<hbm>> -> memref<128xi32, #tpu.memory_space<hbm>>
        %dma_wait3A_15 = tpu.memref_slice %arg11[%mul3A_13] : memref<2560xi32, #tpu.memory_space<vmem_shared>> -> memref<128xi32, #tpu.memory_space<vmem_shared>>
        tpu.wait_dma2 semaphore(%run_scoped3A : memref<!tpu.dma_semaphore, #tpu.memory_space<semaphore_mem>>) src(%dma_wait3A_15 : memref<128xi32, #tpu.memory_space<vmem_shared>>) dst(%dma_wait3A : memref<128xi32, #tpu.memory_space<hbm>>)
        tpu.yield
      }) : () -> ()
      "tpu.region"() ({
        %run_scoped3A = tpu.sem_alloc : memref<!tpu.dma_semaphore, #tpu.memory_space<semaphore_mem>>
        %dma_start3A = tpu.memref_slice %arg5[%mul3A_13] : memref<2048xf32, #tpu.memory_space<hbm>> -> memref<128xf32, #tpu.memory_space<hbm>>
        %dma_start3A_14 = tpu.memref_slice %arg12[%mul3A_13] : memref<2560xf32, #tpu.memory_space<vmem_shared>> -> memref<128xf32, #tpu.memory_space<vmem_shared>>
        tpu.enqueue_dma source(%dma_start3A_14 : memref<128xf32, #tpu.memory_space<vmem_shared>>) target(%dma_start3A : memref<128xf32, #tpu.memory_space<hbm>>) target_semaphore(%run_scoped3A : memref<!tpu.dma_semaphore, #tpu.memory_space<semaphore_mem>>)
        %dma_wait3A = tpu.memref_slice %arg5[%mul3A_13] : memref<2048xf32, #tpu.memory_space<hbm>> -> memref<128xf32, #tpu.memory_space<hbm>>
        %dma_wait3A_15 = tpu.memref_slice %arg12[%mul3A_13] : memref<2560xf32, #tpu.memory_space<vmem_shared>> -> memref<128xf32, #tpu.memory_space<vmem_shared>>
        tpu.wait_dma2 semaphore(%run_scoped3A : memref<!tpu.dma_semaphore, #tpu.memory_space<semaphore_mem>>) src(%dma_wait3A_15 : memref<128xf32, #tpu.memory_space<vmem_shared>>) dst(%dma_wait3A : memref<128xf32, #tpu.memory_space<hbm>>)
        tpu.yield
      }) : () -> ()
    } else {
    }
    return
  }
}

</mosaic_0001>

<sc_bundles>
// kernel: _slots.3.cloned.1.call-start
scs
__scs_entry_jumppad:
0x0: {  	(pc) =	sbr.rel $0x88, $3  }
0x1: {  	(tag) =	ssettag $0x0;
	lr =	simm.s32 $0x1  }
0x2: {  	[smem:$0x3F9F] =	sst lr;
	_ =	strace $0xD0000000  }
0x3: {  	_ = 	snop  }
0x4: {  	_ = 	snop  }
0x5: {  	_ = 	snop  }
0x6: {  	_ = 	snop  }
0x7: {  	_ = 	snop  }
__scs_overlays_trampoline_lowered:
0x8: {  	[smem:$0x3FAE] =	sst s0  }
0x9: {  	[smem:$0x3FAF] =	sst s1  }
0xa: {  	[smem:$0x3FB0] =	sst s2  }
0xb: {  	[smem:$0x3FB1] =	sst s3  }
0xc: {  	[smem:$0x3FB2] =	sst s4  }
0xd: {  	[smem:$0x3FB3] =	sst s5  }
0xe: {  	[smem:$0x3FB4] =	sst s6  }
0xf: {  	[smem:$0x3FB5] =	sst s7  }
0x10: {  	[smem:$0x3FB6] =	sst s8  }
0x11: {  	[smem:$0x3FB7] =	sst s9;
	s0 =	simm.s32 @!p0 $0x0  }
0x12: {  	s1 =	sld [smem:$0x3F9D];
	s0 =	simm.s32 @p0 $0x1  }
0x13: {  	[smem:$0x3FB8] =	sst s0;
	s0 =	simm.s32 @!p1 $0x0  }
0x14: {  	s2 =	sld [smem:$0x3F9C];
	s0 =	simm.s32 @p1 $0x1  }
0x15: {  	[smem:$0x3FB9] =	sst s0;
	s0 =	simm.s32 @!p2 $0x0  }
0x16: {  	s3 =	sld [smem:$0x3FDB];
	s0 =	simm.s32 @p2 $0x1  }
0x17: {  	s4 =	simm.s32 $0x1BF5;
	[smem:$0x3FBB] =	sst s0  }
0x18: {  	s0 =	sld [smem:$0x3F9E];
	_ =	swait.ge [sflag:s4], $0x0  }
0x19: {  	s7 =	sld [smem:$0x3F9F]  }
0x1a: {  	s8 =	sadd.s32 $0xFFFFE003, lr  }
0x1b: {  	s9 =	sadd.s32 $0xFFFFFEF7, lr;
	s5 =	simm.s32 $0xFFFFFFFF;
	p2 =	slt.u32 s8, $0xFFFFF086  }
0x1c: {  	p1 =	slt.u32 s9, $0xF7A;
	s5 =	simm.s32 @!p2 $0x0  }
0x1d: {  	s5 =	simm.s32 @p1 $0x1;
	p0 =	seq.s32 s7, s2  }
0x1e: {  	s7 =	smul.u32 @!p0 $0xF7A, s2;
	p2 =	seq.s32 @!p0 s5, $0x0  }
0x1f: {  	s9 =	smul.u32 $0xF7A, s1;
	s8 =	simm.s32 @!p0 $0x1BF5;
	p2 =	por !p2, p0  }
0x20: {  	[sflag:s8] =	ssyncset.s32 @!p0 $0xFFFFF086;
	s6 =	sadd.s32 @!p0 s3, s7;
	s7 =	simm.s32 @!p0 $0x108  }
0x21: {  	s3 =	sadd.s32 s3, s9;
	s6 =	sadd.s32 @!p0 $0x88, s6;
	s7 =	simm.s32 @p2 $0x1082  }
0x22: {  	[simem:s7], [sflag:s8] =	dma.local @!p0 [hbm:s6], $0xF7A  }
0x23: {  	s9 =	sor.u32 $0xD0000000, s2;
	s6 =	simm.s32 $0x108;
	_ =	swait.ge @!p0 [sflag:s8], $0x0  }
0x24: {  	s3 =	sadd.s32 $0x88, s3;
	s6 =	simm.s32 @!p1 $0x1082;
	[sflag:s4] =	ssyncset.s32 $0xFFFFF086  }
0x25: {  	[simem:s6], [sflag:s4] =	dma.local [hbm:s3], $0xF7A  }
0x26: {  	[smem:$0x3F9F] =	sst s1;
	(tag) =	ssettag s2;
	_ =	strace s9  }
0x27: {  	s1 =	sld [smem:$0x3FAF]  }
0x28: {  	s2 =	sld [smem:$0x3FB0]  }
0x29: {  	s4 =	sld [smem:$0x3FB2]  }
0x2a: {  	p0 =	seq.s32 s5, $0x0;
	s5 =	sld [smem:$0x3FB3]  }
0x2b: {  	s6 =	sld [smem:$0x3FB4]  }
0x2c: {  	s7 =	sld [smem:$0x3FB5]  }
0x2d: {  	s3 =	simm.s32 $0x108;
	s8 =	sld [smem:$0x3FB6]  }
0x2e: {  	s3 =	simm.s32 @!p0 $0x1082;
	s9 =	sld [smem:$0x3FB7]  }
0x2f: {  	lr =	sadd.s32 s0, s3;
	s0 =	sld [smem:$0x3FAE]  }
0x30: {  	s3 =	sld [smem:$0x3FB1]  }
0x31: {  	[smem:$0x3FBA] =	sst s10  }
0x32: {  	s10 =	sld [smem:$0x3FB8];
	_ =	sdelay $0x3  }
0x33: {  	p0 =	seq.s32 s10, $0x1;
	s10 =	sld [smem:$0x3FBA];
	_ =	sdelay $0x3  }
0x34: {  	[smem:$0x3FBA] =	sst s10  }
0x35: {  	s10 =	sld [smem:$0x3FB9];
	_ =	sdelay $0x3  }
0x36: {  	p1 =	seq.s32 s10, $0x1;
	s10 =	sld [smem:$0x3FBA];
	_ =	sdelay $0x3  }
0x37: {  	[smem:$0x3FBA] =	sst s10  }
0x38: {  	s10 =	sld [smem:$0x3FBB]  }
0x39: {  	_ = 	snop;
	(pc) =	sbr.ind lr, $3  }
0x3a: {  	_ = 	snop  }
0x3b: {  	_ = 	snop  }
0x3c: {  	p2 =	seq.s32 s10, $0x1;
	s10 =	sld [smem:$0x3FBA]  }
0x3d: {  	_ =	shalt  }
0x3e: {  	_ =	shalt  }
0x3f: {  	_ =	shalt  }
0x40: {  	_ =	shalt  }
0x41: {  	_ =	shalt  }
0x42: {  	_ =	shalt  }
0x43: {  	_ =	shalt  }
0x44: {  	_ =	shalt  }
0x45: {  	_ =	shalt  }
0x46: {  	_ =	shalt  }
0x47: {  	_ =	shalt  }
0x48: {  	_ =	shalt  }
0x49: {  	_ =	shalt  }
0x4a: {  	_ =	shalt  }
0x4b: {  	_ =	shalt  }
0x4c: {  	_ =	shalt  }
0x4d: {  	_ =	shalt  }
0x4e: {  	_ =	shalt  }
0x4f: {  	_ =	shalt  }
0x50: {  	_ =	shalt  }
0x51: {  	_ =	shalt  }
0x52: {  	_ =	shalt  }
0x53: {  	_ =	shalt  }
0x54: {  	_ =	shalt  }
0x55: {  	_ =	shalt  }
0x56: {  	_ =	shalt  }
0x57: {  	_ =	shalt  }
0x58: {  	_ =	shalt  }
0x59: {  	_ =	shalt  }
0x5a: {  	_ =	shalt  }
0x5b: {  	_ =	shalt  }
0x5c: {  	_ =	shalt  }
0x5d: {  	_ =	shalt  }
0x5e: {  	_ =	shalt  }
0x5f: {  	_ =	shalt  }
0x60: {  	_ =	shalt  }
0x61: {  	_ =	shalt  }
0x62: {  	_ =	shalt  }
0x63: {  	_ =	shalt  }
0x64: {  	_ =	shalt  }
0x65: {  	_ =	shalt  }
0x66: {  	_ =	shalt  }
0x67: {  	_ =	shalt  }
0x68: {  	_ =	shalt  }
0x69: {  	_ =	shalt  }
0x6a: {  	_ =	shalt  }
0x6b: {  	_ =	shalt  }
0x6c: {  	_ =	shalt  }
0x6d: {  	_ =	shalt  }
0x6e: {  	_ =	shalt  }
0x6f: {  	_ =	shalt  }
0x70: {  	_ =	shalt  }
0x71: {  	_ =	shalt  }
0x72: {  	_ =	shalt  }
0x73: {  	_ =	shalt  }
0x74: {  	_ =	shalt  }
0x75: {  	_ =	shalt  }
0x76: {  	_ =	shalt  }
0x77: {  	_ =	shalt  }
0x78: {  	_ =	shalt  }
0x79: {  	_ =	shalt  }
0x7a: {  	_ =	shalt  }
0x7b: {  	_ =	shalt  }
0x7c: {  	_ =	shalt  }
0x7d: {  	_ =	shalt  }
0x7e: {  	_ =	shalt  }
0x7f: {  	_ =	shalt  }
0x80: {  	_ =	shalt  }
0x81: {  	_ =	shalt  }
0x82: {  	_ =	shalt  }
0x83: {  	_ =	shalt  }
0x84: {  	_ =	shalt  }
0x85: {  	_ =	shalt  }
0x86: {  	_ =	shalt  }
0x87: {  	_ =	shalt  }
.Lfunc_end0:
.L_simem_size_0:
called_computation_lowered:
.L_overlay_start_0:
0x88: {  	s2 =	sld [smem:$0x3FD9]  }
0x89: {  	s3 =	sld [smem:$0x3FFE];
	_ =	sdelay $0x1  }
0x8a: {  	s1 =	srdreg.scid  }
0x8b: {  	s0 =	sand.u32 $0x1, s1  }
0x8c: {  	s15 =	sshll.u32 s0, $0xA;
	s2 =	sadd.s32 s3, s2  }
0x8d: {  	s2 =	sadd.s32 s2, s15  }
0x8e: {  	[smem:$0x3FC6] =	sst s2  }
0x8f: {  	_ = 	snop  }
0x90: {  	s2 =	sld [smem:$0x3FD0];
	_ =	sdelay $0x1  }
0x91: {  	s16 =	sld [smem:$0x3FC9]  }
0x92: {  	s5 =	simm.s32 $0xA;
	s6 =	simm.s32 $0x10;
	s4 =	sld [smem:$0x3FC8]  }
0x93: {  	[smem:s6], [sflag:s5] =	dma.local [hbm:s2], $0x1  }
0x94: {  	_ =	swait.eq [sflag:s5], $0x1  }
0x95: {  	[sflag:s5] =	ssyncset.done $0x0  }
0x96: {  	s17 =	sld [smem:$0x10];
	[sflag:s5] =	ssyncadd.s32 $0xFFFFFFFF  }
0x97: {  	s18 =	sld [smem:$0x11];
	(tm) =	ssettm $0x1  }
0x98: {  	s19 =	sld [smem:$0x3FFB];
	_ =	sdelay $0x3  }
0x99: {  	_ =	strace s19  }
0x9a: {  	s6 =	sld [smem:$0x3FFC];
	_ =	sdelay $0x3  }
0x9b: {  	_ =	strace s6  }
0x9c: {  	s6 =	sld [smem:$0x3FFD];
	_ =	sdelay $0x3  }
0x9d: {  	_ =	strace s6  }
0x9e: {  	_ =	strace $0x8FFFFFFF  }
0x9f: {  	s20 =	sld [smem:$0x3FDB];
	_ =	sdelay $0x1  }
0xa0: {  	s7 =	simm.s32 $_scs_section_size  }
0xa1: {  	s8 =	simm.s32 $_size__tile_overlayer_lowered;
	s9 =	simm.s32 $_tile_overlayer_lowered  }
0xa2: {  	s23 =	simm.s32 $0x1BFF;
	s22 =	sshll.u32 s9, $0x1;
	s6 =	sadd.s32 s7, s20  }
0xa3: {  	s10 =	simm.s32 $0x0;
	s21 =	sshll.u32 s8, $0x1;
	s8 =	sadd.s32 s22, s6  }
0xa4: {  	[timem:s10], [sflag:s23] =	dma.local [hbm:s8], s21  }
0xa5: {  	_ =	swait.ge [sflag:s23], s21  }
0xa6: {  	s7 =	ssub.s32 $0x0, s21;
	[sflag:s23] =	ssyncset.done $0x0  }
0xa7: {  	[sflag:s23] =	ssyncadd.s32 s7;
	_ =	sdelay $0x1  }
0xa8: {  	s24 =	simm.s32 $0x1B8B  }
0xa9: {  	_ =	swait.ge [sflag:s24], $0x1  }
0xaa: {  	[sflag:s24] =	ssyncset.done $0x0  }
0xab: {  	s25 =	simm.s32 $0x1B8E;
	[sflag:s24] =	ssyncadd.s32 $0xFFFFFFFF  }
0xac: {  	s26 =	simm.s32 $execute0_lowered;
	[smem:$0x3FD2] =	sst s25  }
0xad: {  	s7 =	sshll.u32 s26, $0x1;
	_ =	strace $0x80000046;
	[dreg:$0x1] =	wrdreg $0xFFFFFFFF  }
0xae: {  	s28 =	simm.s32 $_size_execute0_lowered;
	s6 =	sadd.s32 s6, s7;
	[dreg:$0x0] =	wrdreg $0x0  }
0xaf: {  	s7 =	sshll.u32 s28, $0x1;
	[dreg:$0x2] =	wrdreg s6  }
0xb0: {  	[dreg:$0x3] =	wrdreg s7  }
0xb1: {  	[dreg:$0x4] =	wrdreg $0xC0  }
0xb2: {  	_ =	task [dreg:s10], $0x5FFFF  }
0xb3: {  	[dreg:$0x1] =	wrdreg $0xFFFFFFFF  }
0xb4: {  	[dreg:$0x0] =	wrdreg $0x60  }
0xb5: {  	[dreg:$0x2] =	wrdreg s16  }
0xb6: {  	[dreg:$0x3] =	wrdreg s4  }
0xb7: {  	[dreg:$0x4] =	wrdreg s17  }
0xb8: {  	[dreg:$0x5] =	wrdreg s18  }
0xb9: {  	[dreg:$0x6] =	wrdreg $0x3800  }
0xba: {  	[dreg:$0x7] =	wrdreg $0x4200  }
0xbb: {  	[dreg:$0x8] =	wrdreg $0x9  }
0xbc: {  	_ =	task.clear_ibuf [dreg:s10], $0x9FFFF;
	_ =	strace $0x90000046  }
0xbd: {  	s29 =	simm.s32 $0x9;
	_ =	strace $0x80000048  }
0xbe: {  	_ =	swait.ge [sflag:s29], $0x1  }
0xbf: {  	[sflag:s29] =	ssyncadd.s32 $0xFFFFFFFF  }
0xc0: {  	_ =	strace $0x90000048  }
0xc1: {  	_ =	sfence  }
0xc2: {  	s30 =	sld [smem:$0x0];
	_ =	sdelay $0x2  }
0xc3: {  	s31 =	sshll.u32 s1, $0xD;
	s1 =	sshrl.u32 s1, $0x2  }
0xc4: {  	s3 =	sand.u32 $0x4000, s31;
	s1 =	sadd.s32 s1, s30  }
0xc5: {  	s0 =	sor.u32 s3, s0;
	s1 =	sshll.u32 s1, $0x11  }
0xc6: {  	s0 =	sor.u32 s1, s0  }
0xc7: {  	s0 =	sadd.s32 $0x8F2B, s0  }
0xc8: {  	[sflag:s0] =	ssyncadd.remote.s32 $0x1  }
0xc9: {  	_ =	sfence.sel $0xFFFF  }
0xca: {  	[dreg:$0x0] =	wrdreg $0xFFFFFFFF;
	(pc) =	sbr.abs _section_cstart, $3  }
0xcb: {  	[dreg:$0x1] =	wrdreg $0xFFFFFFFF  }
0xcc: {  	_ =	task.clear_ibuf [dreg:s10], $0x2FFFF;
	_ =	strace $0x9FFFFFFF  }
0xcd: {  	(tm) =	ssettm $0x7FFFFFFF  }
tec
execute0_lowered:
.L_overlay_start_1:
0x0: {  	(tag) =	ssettag $0x1  }
0x1: {  	s5 =	rddreg [dreg:$0x0]  }
0x2: {  	s6 =	rddreg [dreg:$0x1]  }
0x3: {  	s7 =	rddreg [dreg:$0x2]  }
0x4: {  	s8 =	rddreg [dreg:$0x3]  }
0x5: {  	s1 =	rddreg [dreg:$0x4]  }
0x6: {  	s2 =	rddreg [dreg:$0x5]  }
0x7: {  	s3 =	srdreg.scid;
	s0 =	rddreg [dreg:$0x6];
	s4 =	simm.s32 $0x0  }
0x8: {  	s9 =	sand.u32 $0x1, s3;
	[smem:$0x7FF] =	sst s4  }
0x9: {  	s3 =	stileid.u32;
	s10 =	ssub.s32 $0x2, s9;
	_ =	strace $0x80000047  }
0xa: {  	s12 =	sshll.u32 s3, $0x4;
	s13 =	sshll.u32 s3, $0x7;
	s30 =	smul.u32 $0xA0, s3  }
0xb: {  	p0 =	seq.s32 s9, $0x0;
	s31 =	sshll.u32 s3, $0x6;
	s11 =	sshrl.u32 s10, $0x1  }
0xc: {  	s5 =	sadd.s32 s5, s12;
	s6 =	sadd.s32 s6, s12;
	s14 =	sor.u32 $0x1, s13  }
0xd: {  	s15 =	sor.u32 $0x11, s13;
	s16 =	sor.u32 $0x21, s13;
	s17 =	sor.u32 $0x31, s13  }
0xe: {  	s18 =	sor.u32 $0x41, s13;
	s19 =	sor.u32 $0x51, s13;
	s20 =	sor.u32 $0x61, s13  }
0xf: {  	s7 =	sadd.s32 s7, s12;
	s8 =	sadd.s32 s8, s12;
	s21 =	sor.u32 $0x71, s13  }
.Ltmp0:
0x10: {  	s22 =	sadd.s32 s13, s1;
	s23 =	sadd.s32 s13, s2;
	(pc) =	sbr.rel .LBB2_1-.Ltmp0, $4  }
0x11: {  	v7 =	vlaneseq.u32;
	v8 =	vimm.s32 $0x0;
	s12 =	simm.s32 $0x1;
	s13 =	simm.s32 $0x80;
	s11 =	ssub.s32 s10, s11  }
0x12: {  	v9 =	vimm.f32 $0.0e+00;
	s9 =	sadd.s32 s30, s1;
	s10 =	sadd.s32 s30, s2;
	v0 =	vadd.s32 s14, v7;
	v1 =	vadd.s32 s15, v7;
	s14 =	simm.s32 $0x180  }
0x13: {  	v2 =	vadd.s32 s16, v7;
	v3 =	vadd.s32 s17, v7;
	v4 =	vadd.s32 s18, v7;
	s15 =	simm.s32 $0x280;
	s16 =	simm.s32 $0x100;
	s17 =	sor.u32 $0x1C01, s31  }
0x14: {  	v5 =	vadd.s32 s19, v7;
	v6 =	vadd.s32 s20, v7;
	v7 =	vadd.s32 s21, v7;
	s18 =	sshrl.u32 s22, $0x3;
	s19 =	sshrl.u32 s23, $0x3;
	s11 =	smax.u32 s11, $0x1  }
.LBB2_3:
0x15: {  	[tilespmem:s4], [sflag:$0x1] =	stream.linear.gather [hbm4b:s5+s4], $0x80, $0x38;
	[tilespmem:$0x4C0] =	vst v63  }
0x16: {  	_ =	swait.ge [sflag:s12], $0x80  }
0x17: {  	[sflag:s12] =	ssyncset.done $0x0  }
0x18: {  	[sflag:s12] =	ssyncadd.s32 $0xFFFFFF80  }
0x19: {  	[tilespmem:s13], [sflag:$0x1] =	stream.linear.gather [hbm4b:s6+s4], $0x80, $0x38;
	[tilespmem:$0x4C0] =	vst v63  }
0x1a: {  	_ =	swait.ge [sflag:s12], $0x80  }
0x1b: {  	[sflag:s12] =	ssyncset.done $0x0  }
0x1c: {  	[sflag:s12] =	ssyncadd.s32 $0xFFFFFF80  }
0x1d: {  	[tilespmem:$0x100] =	vst v0  }
0x1e: {  	[tilespmem:$0x110] =	vst v1  }
0x1f: {  	[tilespmem:$0x120] =	vst v2  }
0x20: {  	[tilespmem:$0x130] =	vst v3  }
0x21: {  	[tilespmem:$0x140] =	vst v4  }
0x22: {  	[tilespmem:$0x150] =	vst v5  }
0x23: {  	[tilespmem:$0x160] =	vst v6  }
0x24: {  	[tilespmem:$0x170] =	vst v7  }
0x25: {  	[tilespmem:$0x180] =	vst v8  }
0x26: {  	[tilespmem:$0x280] =	vst v9  }
0x27: {  	[tilespmem:$0x190] =	vst v8  }
0x28: {  	[tilespmem:$0x290] =	vst v9  }
0x29: {  	[tilespmem:$0x1A0] =	vst v8  }
0x2a: {  	[tilespmem:$0x2A0] =	vst v9  }
0x2b: {  	[tilespmem:$0x1B0] =	vst v8  }
0x2c: {  	[tilespmem:$0x2B0] =	vst v9  }
0x2d: {  	[tilespmem:$0x1C0] =	vst v8  }
0x2e: {  	[tilespmem:$0x2C0] =	vst v9  }
0x2f: {  	[tilespmem:$0x1D0] =	vst v8  }
0x30: {  	[tilespmem:$0x2D0] =	vst v9  }
0x31: {  	[tilespmem:$0x1E0] =	vst v8  }
0x32: {  	[tilespmem:$0x2E0] =	vst v9  }
0x33: {  	[tilespmem:$0x1F0] =	vst v8  }
0x34: {  	[tilespmem:$0x2F0] =	vst v9  }
0x35: {  	[tilespmem:$0x200] =	vst v8  }
0x36: {  	[tilespmem:$0x300] =	vst v9  }
0x37: {  	[tilespmem:$0x210] =	vst v8  }
0x38: {  	[tilespmem:$0x310] =	vst v9  }
0x39: {  	[spmem:s9] =	stream.linear.scatter [tilespmem:s14], [sflag:$0x1], $0xA0, $0x38;
	[tilespmem:$0x4C0] =	vst v63  }
0x3a: {  	_ =	swait.ge [sflag:s12], $0xA0  }
0x3b: {  	[sflag:s12] =	ssyncset.done $0x0  }
0x3c: {  	[sflag:s12] =	ssyncadd.s32 $0xFFFFFF60  }
0x3d: {  	[spmem:s10] =	stream.linear.scatter [tilespmem:s15], [sflag:$0x1], $0xA0, $0x38;
	[tilespmem:$0x4C0] =	vst v63  }
0x3e: {  	_ =	swait.ge [sflag:s12], $0xA0  }
0x3f: {  	[sflag:s12] =	ssyncset.done $0x0  }
0x40: {  	[sflag:s12] =	ssyncadd.s32 $0xFFFFFF60  }
0x41: {  	[bflag:$0x0] =	sbarrier.arrive $0xFFFF  }
0x42: {  	[spmem:s1] =	stream.indirect.scatter.add.s32 [tilespmem:s16], [sflag:$0x1], $0x1, s4, s13, $0xb8;
	[tilespmem:$0x4C0] =	vst v63  }
0x43: {  	_ =	swait.ge [sflag:s12], $0x80  }
0x44: {  	[sflag:s12] =	ssyncset.done $0x0  }
0x45: {  	[sflag:s12] =	ssyncadd.s32 $0xFFFFFF80  }
0x46: {  	[spmem:s2] =	stream.indirect.scatter.add.f32 [tilespmem:s13], [sflag:$0x1], $0x1, s4, s13, $0xb8;
	[tilespmem:$0x4C0] =	vst v63  }
0x47: {  	_ =	swait.ge [sflag:s12], $0x80  }
0x48: {  	[sflag:s12] =	ssyncset.done $0x0  }
0x49: {  	[sflag:s12] =	ssyncadd.s32 $0xFFFFFF80  }
0x4a: {  	[bflag:$0x0] =	sbarrier.arrive $0xFFFF  }
0x4b: {  	[hbm:s7], [sflag:s17] =	dma.local [spmem:s18], $0x10  }
0x4c: {  	_ =	swait.ge [sflag:s12], $0x10  }
0x4d: {  	[sflag:s12] =	ssyncset.done $0x0  }
0x4e: {  	[sflag:s12] =	ssyncadd.s32 $0xFFFFFFF0  }
0x4f: {  	[hbm:s8], [sflag:s17] =	dma.local [spmem:s19], $0x10  }
0x50: {  	_ =	swait.ge [sflag:s12], $0x10  }
0x51: {  	[sflag:s12] =	ssyncset.done $0x0  }
0x52: {  	[sflag:s12] =	ssyncadd.s32 $0xFFFFFFF0  }
.LBB2_4:
0x53: {  	s11 =	sadd.s32 $0xFFFFFFFF, s11  }
0x54: {  	p1 =	sne.s32 s11, $0x0  }
.Ltmp1:
0x55: {  	_ = 	snop;
	(pc) =	sbr.rel @!p1 .LBB2_5-.Ltmp1, $1  }
0x56: {  	_ =	sdelay $0x3  }
.LBB2_1:
.Ltmp2:
0x57: {  	(pc) =	sbr.rel @p0 .LBB2_3-.Ltmp2, $1  }
0x58: {  	_ =	sdelay $0x3  }
.Ltmp3:
0x59: {  	(pc) =	sbr.rel .LBB2_4-.Ltmp3, $3  }
0x5a: {  	_ = 	snop  }
0x5b: {  	[bflag:$0x0] =	sbarrier.arrive $0xFFFF  }
0x5c: {  	[bflag:$0x0] =	sbarrier.arrive $0xFFFF;
	_ =	sdelay $0x1  }
.LBB2_5:
0x5d: {  	_ =	sfence.sel $0x180000  }
0x5e: {  	[bflag:$0x0] =	sbarrier.arrive $0xFFFF  }
0x5f: {  	p0 =	sne.s32 s3, $0x0;
	_ =	strace $0x90000047  }
0x60: {  	s0 =	sadd.s32 @!p0 $0x100000, s0;
	[bflag:$0x2] =	sbarrier.arrive $0xFFFF  }
0x61: {  	[sflag:s0] =	ssyncadd.tile.s32 @!p0 $0x1;
	_ =	shalt  }
.Lfunc_end2:
_tile_overlayer_lowered:
.L_overlay_start_2:
0x62: {  	(tag) =	ssettag $0x2  }
0x63: {  	s0 =	rddreg [dreg:$0x0];
	s2 =	stileid.u32  }
0x64: {  	s1 =	rddreg [dreg:$0x1];
	p0 =	sne.s32 s2, $0x0  }
0x65: {  	s3 =	rddreg [dreg:$0x2];
	[bflag:$0x3] =	sbarrier.arrive $0xFFFF;
	s2 =	simm.s32 @!p0 $0x1C01  }
0x66: {  	[timem:s3], [sflag:s2] =	dma.local @!p0 [hbm:s0], s1  }
0x67: {  	s0 =	simm.s32 @!p0 $0x1  }
0x68: {  	_ =	swait.ge @!p0 [sflag:s0], s1  }
0x69: {  	s1 =	ssub.s32 @!p0 $0x0, s1;
	[sflag:s0] =	ssyncset.done @!p0 $0x0  }
0x6a: {  	[sflag:s0] =	ssyncadd.s32 @!p0 s1  }
0x6b: {  	[bflag:$0x3] =	sbarrier.arrive $0xFFFF  }
0x6c: {  	_ =	shalt  }

</sc_bundles>
